<compile_context>
chip_gen: v7x
topology: tpu7x:2x2x1
jax: 0.10.2.dev20260603
libtpu: 0.0.44.dev20260713+nightly
codegen_flags: <defaults>
</compile_context>

<pallas_src>
import functools

import jax
import jax.numpy as jnp
from jax import lax
from jax.experimental import pallas as pl
from jax.experimental.pallas import tpu as pltpu
from jax.experimental.pallas import tpu_sc as plsc

ROWS_PER_GATHER = 128
PAD_DIM = 128
NBUF = 8
PREFETCH = 4


@functools.lru_cache(maxsize=None)
def _make_sc_gather(n_b: int, n_tok: int, embed_num: int, embed_dim: int):
    info = plsc.get_sparse_core_info()
    nc, ns = info.num_cores, info.num_subcores
    nw = nc * ns
    n_rows = n_b * n_tok
    rows_per_w = n_rows // nw
    chunks = rows_per_w // ROWS_PER_GATHER
    rpg = ROWS_PER_GATHER
    cpb = n_tok // rpg

    mesh = plsc.VectorSubcoreMesh(core_axis_name="c", subcore_axis_name="s")

    @functools.partial(
        pl.kernel,
        mesh=mesh,
        out_type=jax.ShapeDtypeStruct((n_b, n_tok, embed_dim), jnp.float32),
        scratch_types=[
            pltpu.VMEM((chunks, rpg), jnp.int32),
            pltpu.VMEM((NBUF, rpg, embed_dim), jnp.float32),
            pltpu.VMEM_SHARED((embed_num, embed_dim), jnp.float32),
            pltpu.SemaphoreType.DMA((NBUF,)),
            pltpu.SemaphoreType.DMA((NBUF,)),
        ],
        compiler_params=pltpu.CompilerParams(use_tc_tiling_on_sc=False),
    )
    def k(idx_hbm, table_hbm, out_hbm, idx_v, rows_v, table_sh, gsems, osems):
        sid = lax.axis_index("s")
        wid = sid * nc + lax.axis_index("c")
        tslice = embed_num // ns
        pltpu.sync_copy(
            table_hbm.at[pl.ds(sid * tslice, tslice), pl.ds(0, embed_dim)],
            table_sh.at[pl.ds(sid * tslice, tslice)],
        )
        pltpu.sync_copy(idx_hbm.at[pl.ds(wid * chunks, chunks)], idx_v)
        plsc.subcore_barrier()
        chunk0 = wid * chunks

        def out_slice(j):
            gc = chunk0 + j
            return out_hbm.at[lax.div(gc, cpb), pl.ds(lax.rem(gc, cpb) * rpg, rpg)]

        for b in range(PREFETCH):
            pltpu.async_copy(table_sh.at[idx_v.at[b]], rows_v.at[b], gsems.at[b])

        def step(j, carry):
            b = lax.rem(j, NBUF)
            b2 = lax.rem(j + PREFETCH, NBUF)

            pltpu.make_async_copy(
                table_sh.at[idx_v.at[j]], rows_v.at[b], gsems.at[b]
            ).wait()

            @pl.when(j + PREFETCH >= NBUF)
            def _():
                pltpu.make_async_copy(
                    rows_v.at[b2], out_slice(j + PREFETCH - NBUF), osems.at[b2]
                ).wait()

            @pl.when(j + PREFETCH < chunks)
            def _():
                pltpu.async_copy(
                    table_sh.at[idx_v.at[j + PREFETCH]], rows_v.at[b2], gsems.at[b2]
                )

            pltpu.async_copy(rows_v.at[b], out_slice(j), osems.at[b])
            return carry

        lax.fori_loop(0, chunks, step, 0)

        for b in range(PREFETCH):
            j = chunks - PREFETCH + b
            pltpu.make_async_copy(
                rows_v.at[j % NBUF], out_slice(j), osems.at[j % NBUF]
            ).wait()

    return k


def kernel(indices, embeddings):
    n_b, n_tok = indices.shape
    embed_num, embed_dim = embeddings.shape
    k = _make_sc_gather(n_b, n_tok, embed_num, embed_dim)
    idx2 = jnp.maximum(indices.reshape(n_b * n_tok // 128, 128), 0)
    table_padded = jnp.maximum(
        jnp.pad(embeddings, ((0, 0), (0, PAD_DIM - embed_dim))),
        jnp.float32(-3.0e38),
    )
    return k(idx2, table_padded)

# --- scband reference (transcript-rebuilt; emitter-appended) ---
"""Pipeline reference for scband-embedding-52793738003226 (READ-ONLY COPY).

The authoritative reference and input builder live on the scoring server;
editing this copy changes nothing except your own understanding.
"""

import jax, jax.numpy as jnp
import numpy as np

EMBED_NUM = 8192
EMBED_DIM = 64
B = 256
TOK = 1024


def setup_inputs(seed: int = 0) -> dict:
    key = jax.random.key(seed)
    k_idx, k_emb = jax.random.split(key)
    indices = jax.random.randint(k_idx, (B, TOK), 0, EMBED_NUM, dtype=jnp.int32)
    embeddings = jax.random.normal(k_emb, (EMBED_NUM, EMBED_DIM), dtype=jnp.float32) * 0.02
    return {"indices": indices, "embeddings": embeddings}


def reference(indices, embeddings):
    # Faithful translation of call(): tf.gather(self.embeddings, indices)
    return jnp.take(embeddings, indices, axis=0)

if __name__ == "__main__":
    import jax
    _d = setup_inputs()
    print(jax.jit(kernel)(*tuple(_d.values())))

</pallas_src>

<mosaic_0001>
#map = affine_map<(d0, d1) -> (0, 0)>
#map1 = affine_map<(d0, d1) -> (0, 0, 0)>
module attributes {stable_mosaic.version = 14 : i64} {
  func.func @k(%arg0: i32, %arg1: i32, %arg2: memref<2048x128xi32, #tpu.memory_space<hbm>>, %arg3: memref<8192x128xf32, #tpu.memory_space<hbm>>, %arg4: memref<256x1024x64xf32, #tpu.memory_space<hbm>>, %arg5: memref<64x128xi32, #tpu.memory_space<vmem>>, %arg6: memref<8x128x64xf32, #tpu.memory_space<vmem>>, %arg7: memref<8192x64xf32, #tpu.memory_space<vmem_shared>>, %arg8: memref<8x!tpu.dma_semaphore, #tpu.memory_space<semaphore_mem>>, %arg9: memref<8x!tpu.dma_semaphore, #tpu.memory_space<semaphore_mem>>) attributes {dimension_semantics = [#tpu.dimension_semantics<core_parallel>, #tpu.dimension_semantics<subcore_parallel>], iteration_bounds = array<i64: 2, 16>, scalar_prefetch = 0 : i64, scratch_operands = 5 : i64, tpu.core_type = #tpu.core_type<sc_vector_subcore>, window_params = [{transform_indices = #map}, {transform_indices = #map}, {transform_indices = #map1}]} {
    %mul3A = arith.constant 2 : i32
    %mul3A_0 = arith.muli %arg1, %mul3A : i32
    %add3A = arith.addi %mul3A_0, %arg0 : i32
    %mul3A_1 = arith.constant 512 : i32
    %mul3A_2 = arith.muli %arg1, %mul3A_1 : i32
    %mul3A_3 = arith.constant 512 : i32
    %mul3A_4 = arith.muli %arg1, %mul3A_3 : i32
    "tpu.region"() ({
      %run_scoped3A = tpu.sem_alloc : memref<!tpu.dma_semaphore, #tpu.memory_space<semaphore_mem>>
      %dma_start3A_174 = arith.constant 0 : i32
      %dma_start3A_175 = tpu.memref_slice %arg7[%mul3A_4, %dma_start3A_174] : memref<8192x64xf32, #tpu.memory_space<vmem_shared>> -> memref<512x64xf32, #tpu.memory_space<vmem_shared>>
      %dma_start3A_176 = arith.constant 0 : i32
      %dma_start3A_177 = tpu.memref_slice %arg3[%mul3A_2, %dma_start3A_176] : memref<8192x128xf32, #tpu.memory_space<hbm>> -> memref<512x64xf32, #tpu.memory_space<hbm>>
      tpu.enqueue_dma source(%dma_start3A_177 : memref<512x64xf32, #tpu.memory_space<hbm>>) target(%dma_start3A_175 : memref<512x64xf32, #tpu.memory_space<vmem_shared>>) target_semaphore(%run_scoped3A : memref<!tpu.dma_semaphore, #tpu.memory_space<semaphore_mem>>)
      %dma_wait3A_178 = arith.constant 0 : i32
      %dma_wait3A_179 = tpu.memref_slice %arg7[%mul3A_4, %dma_wait3A_178] : memref<8192x64xf32, #tpu.memory_space<vmem_shared>> -> memref<512x64xf32, #tpu.memory_space<vmem_shared>>
      %dma_wait3A_180 = arith.constant 0 : i32
      %dma_wait3A_181 = tpu.memref_slice %arg3[%mul3A_2, %dma_wait3A_180] : memref<8192x128xf32, #tpu.memory_space<hbm>> -> memref<512x64xf32, #tpu.memory_space<hbm>>
      tpu.wait_dma2 semaphore(%run_scoped3A : memref<!tpu.dma_semaphore, #tpu.memory_space<semaphore_mem>>) src(%dma_wait3A_181 : memref<512x64xf32, #tpu.memory_space<hbm>>) dst(%dma_wait3A_179 : memref<512x64xf32, #tpu.memory_space<vmem_shared>>)
      tpu.yield
    }) : () -> ()
    %mul3A_5 = arith.constant 64 : i32
    %mul3A_6 = arith.muli %add3A, %mul3A_5 : i32
    "tpu.region"() ({
      %run_scoped3A = tpu.sem_alloc : memref<!tpu.dma_semaphore, #tpu.memory_space<semaphore_mem>>
      %dma_start3A_174 = arith.constant 0 : i32
      %dma_start3A_175 = tpu.memref_slice %arg2[%mul3A_6, %dma_start3A_174] : memref<2048x128xi32, #tpu.memory_space<hbm>> -> memref<64x128xi32, #tpu.memory_space<hbm>>
      %dma_start3A_176 = arith.constant 0 : i32
      %dma_start3A_177 = tpu.memref_slice %arg2[%mul3A_6, %dma_start3A_176] : memref<2048x128xi32, #tpu.memory_space<hbm>> -> memref<64x128xi32, #tpu.memory_space<hbm>>
      tpu.enqueue_dma source(%dma_start3A_177 : memref<64x128xi32, #tpu.memory_space<hbm>>) target(%arg5 : memref<64x128xi32, #tpu.memory_space<vmem>>) target_semaphore(%run_scoped3A : memref<!tpu.dma_semaphore, #tpu.memory_space<semaphore_mem>>)
      %dma_wait3A_178 = arith.constant 0 : i32
      %dma_wait3A_179 = tpu.memref_slice %arg2[%mul3A_6, %dma_wait3A_178] : memref<2048x128xi32, #tpu.memory_space<hbm>> -> memref<64x128xi32, #tpu.memory_space<hbm>>
      %dma_wait3A_180 = arith.constant 0 : i32
      %dma_wait3A_181 = tpu.memref_slice %arg2[%mul3A_6, %dma_wait3A_180] : memref<2048x128xi32, #tpu.memory_space<hbm>> -> memref<64x128xi32, #tpu.memory_space<hbm>>
      tpu.wait_dma2 semaphore(%run_scoped3A : memref<!tpu.dma_semaphore, #tpu.memory_space<semaphore_mem>>) src(%dma_wait3A_181 : memref<64x128xi32, #tpu.memory_space<hbm>>) dst(%arg5 : memref<64x128xi32, #tpu.memory_space<vmem>>)
      tpu.yield
    }) : () -> ()
    %barrier3A = arith.constant 0 : index
    tpu.barrier barrier_id(%barrier3A)
    %mul3A_7 = arith.constant 64 : i32
    %mul3A_8 = arith.muli %add3A, %mul3A_7 : i32
    %dma_start3A = arith.constant 0 : i32
    %dma_start3A_9 = arith.constant 0 : i32
    %dma_start3A_10 = arith.constant 0 : i32
    %dma_start3A_11 = arith.constant 0 : i32
    %dma_start3A_12 = arith.constant 0 : i32
    %dma_start3A_13 = tpu.memref_slice %arg6[%dma_start3A_9, %dma_start3A_11, %dma_start3A_12] : memref<8x128x64xf32, #tpu.memory_space<vmem>> -> memref<1x128x64xf32, #tpu.memory_space<vmem>>
    %dma_start3A_14 = tpu.memref_squeeze %dma_start3A_13 : memref<1x128x64xf32, #tpu.memory_space<vmem>> -> memref<128x64xf32, #tpu.memory_space<vmem>>
    %dma_start3A_15 = arith.constant 0 : i32
    %dma_start3A_16 = tpu.memref_slice %arg5[%dma_start3A, %dma_start3A_15] : memref<64x128xi32, #tpu.memory_space<vmem>> -> memref<1x128xi32, #tpu.memory_space<vmem>>
    %dma_start3A_17 = tpu.memref_squeeze %dma_start3A_16 : memref<1x128xi32, #tpu.memory_space<vmem>> -> memref<128xi32, #tpu.memory_space<vmem>>
    %dma_start3A_18 = arith.constant 0 : i32
    %dma_start3A_19 = arith.constant 0 : i32
    %dma_start3A_20 = tpu.memref_slice %arg7[%dma_start3A_18, %dma_start3A_19] : memref<8192x64xf32, #tpu.memory_space<vmem_shared>> -> memref<8192x64xf32, #tpu.memory_space<vmem_shared>>
    %dma_start3A_21 = tpu.memref_slice %arg8[%dma_start3A_10] : memref<8x!tpu.dma_semaphore, #tpu.memory_space<semaphore_mem>> -> memref<1x!tpu.dma_semaphore, #tpu.memory_space<semaphore_mem>>
    %dma_start3A_22 = tpu.memref_squeeze %dma_start3A_21 : memref<1x!tpu.dma_semaphore, #tpu.memory_space<semaphore_mem>> -> memref<!tpu.dma_semaphore, #tpu.memory_space<semaphore_mem>>
    tpu.enqueue_indirect_dma source(%dma_start3A_20 : memref<8192x64xf32, #tpu.memory_space<vmem_shared>>) target(%dma_start3A_14 : memref<128x64xf32, #tpu.memory_space<vmem>>) offsets(%dma_start3A_17 : memref<128xi32, #tpu.memory_space<vmem>>) semaphore(%dma_start3A_22 : memref<!tpu.dma_semaphore, #tpu.memory_space<semaphore_mem>>)
    %dma_start3A_23 = arith.constant 1 : i32
    %dma_start3A_24 = arith.constant 1 : i32
    %dma_start3A_25 = arith.constant 1 : i32
    %dma_start3A_26 = arith.constant 0 : i32
    %dma_start3A_27 = arith.constant 0 : i32
    %dma_start3A_28 = tpu.memref_slice %arg6[%dma_start3A_24, %dma_start3A_26, %dma_start3A_27] : memref<8x128x64xf32, #tpu.memory_space<vmem>> -> memref<1x128x64xf32, #tpu.memory_space<vmem>>
    %dma_start3A_29 = tpu.memref_squeeze %dma_start3A_28 : memref<1x128x64xf32, #tpu.memory_space<vmem>> -> memref<128x64xf32, #tpu.memory_space<vmem>>
    %dma_start3A_30 = arith.constant 0 : i32
    %dma_start3A_31 = tpu.memref_slice %arg5[%dma_start3A_23, %dma_start3A_30] : memref<64x128xi32, #tpu.memory_space<vmem>> -> memref<1x128xi32, #tpu.memory_space<vmem>>
    %dma_start3A_32 = tpu.memref_squeeze %dma_start3A_31 : memref<1x128xi32, #tpu.memory_space<vmem>> -> memref<128xi32, #tpu.memory_space<vmem>>
    %dma_start3A_33 = arith.constant 0 : i32
    %dma_start3A_34 = arith.constant 0 : i32
    %dma_start3A_35 = tpu.memref_slice %arg7[%dma_start3A_33, %dma_start3A_34] : memref<8192x64xf32, #tpu.memory_space<vmem_shared>> -> memref<8192x64xf32, #tpu.memory_space<vmem_shared>>
    %dma_start3A_36 = tpu.memref_slice %arg8[%dma_start3A_25] : memref<8x!tpu.dma_semaphore, #tpu.memory_space<semaphore_mem>> -> memref<1x!tpu.dma_semaphore, #tpu.memory_space<semaphore_mem>>
    %dma_start3A_37 = tpu.memref_squeeze %dma_start3A_36 : memref<1x!tpu.dma_semaphore, #tpu.memory_space<semaphore_mem>> -> memref<!tpu.dma_semaphore, #tpu.memory_space<semaphore_mem>>
    tpu.enqueue_indirect_dma source(%dma_start3A_35 : memref<8192x64xf32, #tpu.memory_space<vmem_shared>>) target(%dma_start3A_29 : memref<128x64xf32, #tpu.memory_space<vmem>>) offsets(%dma_start3A_32 : memref<128xi32, #tpu.memory_space<vmem>>) semaphore(%dma_start3A_37 : memref<!tpu.dma_semaphore, #tpu.memory_space<semaphore_mem>>)
    %dma_start3A_38 = arith.constant 2 : i32
    %dma_start3A_39 = arith.constant 2 : i32
    %dma_start3A_40 = arith.constant 2 : i32
    %dma_start3A_41 = arith.constant 0 : i32
    %dma_start3A_42 = arith.constant 0 : i32
    %dma_start3A_43 = tpu.memref_slice %arg6[%dma_start3A_39, %dma_start3A_41, %dma_start3A_42] : memref<8x128x64xf32, #tpu.memory_space<vmem>> -> memref<1x128x64xf32, #tpu.memory_space<vmem>>
    %dma_start3A_44 = tpu.memref_squeeze %dma_start3A_43 : memref<1x128x64xf32, #tpu.memory_space<vmem>> -> memref<128x64xf32, #tpu.memory_space<vmem>>
    %dma_start3A_45 = arith.constant 0 : i32
    %dma_start3A_46 = tpu.memref_slice %arg5[%dma_start3A_38, %dma_start3A_45] : memref<64x128xi32, #tpu.memory_space<vmem>> -> memref<1x128xi32, #tpu.memory_space<vmem>>
    %dma_start3A_47 = tpu.memref_squeeze %dma_start3A_46 : memref<1x128xi32, #tpu.memory_space<vmem>> -> memref<128xi32, #tpu.memory_space<vmem>>
    %dma_start3A_48 = arith.constant 0 : i32
    %dma_start3A_49 = arith.constant 0 : i32
    %dma_start3A_50 = tpu.memref_slice %arg7[%dma_start3A_48, %dma_start3A_49] : memref<8192x64xf32, #tpu.memory_space<vmem_shared>> -> memref<8192x64xf32, #tpu.memory_space<vmem_shared>>
    %dma_start3A_51 = tpu.memref_slice %arg8[%dma_start3A_40] : memref<8x!tpu.dma_semaphore, #tpu.memory_space<semaphore_mem>> -> memref<1x!tpu.dma_semaphore, #tpu.memory_space<semaphore_mem>>
    %dma_start3A_52 = tpu.memref_squeeze %dma_start3A_51 : memref<1x!tpu.dma_semaphore, #tpu.memory_space<semaphore_mem>> -> memref<!tpu.dma_semaphore, #tpu.memory_space<semaphore_mem>>
    tpu.enqueue_indirect_dma source(%dma_start3A_50 : memref<8192x64xf32, #tpu.memory_space<vmem_shared>>) target(%dma_start3A_44 : memref<128x64xf32, #tpu.memory_space<vmem>>) offsets(%dma_start3A_47 : memref<128xi32, #tpu.memory_space<vmem>>) semaphore(%dma_start3A_52 : memref<!tpu.dma_semaphore, #tpu.memory_space<semaphore_mem>>)
    %dma_start3A_53 = arith.constant 3 : i32
    %dma_start3A_54 = arith.constant 3 : i32
    %dma_start3A_55 = arith.constant 3 : i32
    %dma_start3A_56 = arith.constant 0 : i32
    %dma_start3A_57 = arith.constant 0 : i32
    %dma_start3A_58 = tpu.memref_slice %arg6[%dma_start3A_54, %dma_start3A_56, %dma_start3A_57] : memref<8x128x64xf32, #tpu.memory_space<vmem>> -> memref<1x128x64xf32, #tpu.memory_space<vmem>>
    %dma_start3A_59 = tpu.memref_squeeze %dma_start3A_58 : memref<1x128x64xf32, #tpu.memory_space<vmem>> -> memref<128x64xf32, #tpu.memory_space<vmem>>
    %dma_start3A_60 = arith.constant 0 : i32
    %dma_start3A_61 = tpu.memref_slice %arg5[%dma_start3A_53, %dma_start3A_60] : memref<64x128xi32, #tpu.memory_space<vmem>> -> memref<1x128xi32, #tpu.memory_space<vmem>>
    %dma_start3A_62 = tpu.memref_squeeze %dma_start3A_61 : memref<1x128xi32, #tpu.memory_space<vmem>> -> memref<128xi32, #tpu.memory_space<vmem>>
    %dma_start3A_63 = arith.constant 0 : i32
    %dma_start3A_64 = arith.constant 0 : i32
    %dma_start3A_65 = tpu.memref_slice %arg7[%dma_start3A_63, %dma_start3A_64] : memref<8192x64xf32, #tpu.memory_space<vmem_shared>> -> memref<8192x64xf32, #tpu.memory_space<vmem_shared>>
    %dma_start3A_66 = tpu.memref_slice %arg8[%dma_start3A_55] : memref<8x!tpu.dma_semaphore, #tpu.memory_space<semaphore_mem>> -> memref<1x!tpu.dma_semaphore, #tpu.memory_space<semaphore_mem>>
    %dma_start3A_67 = tpu.memref_squeeze %dma_start3A_66 : memref<1x!tpu.dma_semaphore, #tpu.memory_space<semaphore_mem>> -> memref<!tpu.dma_semaphore, #tpu.memory_space<semaphore_mem>>
    tpu.enqueue_indirect_dma source(%dma_start3A_65 : memref<8192x64xf32, #tpu.memory_space<vmem_shared>>) target(%dma_start3A_59 : memref<128x64xf32, #tpu.memory_space<vmem>>) offsets(%dma_start3A_62 : memref<128xi32, #tpu.memory_space<vmem>>) semaphore(%dma_start3A_67 : memref<!tpu.dma_semaphore, #tpu.memory_space<semaphore_mem>>)
    %scan3A = arith.constant 0 : i32
    %scan3A_68 = arith.constant 0 : i32
    %scan3A_69 = arith.constant 64 : i32
    %scan3A_70 = arith.addi %scan3A_68, %scan3A_69 : i32
    %scan3A_71 = arith.constant 1 : i32
    scf.for %scan3A_174 = %scan3A_68 to %scan3A_70 step %scan3A_71  : i32 {
      %rem3A_175 = arith.constant 8 : i32
      %rem3A_176 = arith.remsi %scan3A_174, %rem3A_175 : i32
      %add3A_177 = arith.constant 4 : i32
      %add3A_178 = arith.addi %scan3A_174, %add3A_177 : i32
      %rem3A_179 = arith.constant 8 : i32
      %rem3A_180 = arith.remsi %add3A_178, %rem3A_179 : i32
      %dma_wait3A_181 = arith.constant 0 : i32
      %dma_wait3A_182 = arith.constant 0 : i32
      %dma_wait3A_183 = tpu.memref_slice %arg6[%rem3A_176, %dma_wait3A_181, %dma_wait3A_182] : memref<8x128x64xf32, #tpu.memory_space<vmem>> -> memref<1x128x64xf32, #tpu.memory_space<vmem>>
      %dma_wait3A_184 = tpu.memref_squeeze %dma_wait3A_183 : memref<1x128x64xf32, #tpu.memory_space<vmem>> -> memref<128x64xf32, #tpu.memory_space<vmem>>
      %dma_wait3A_185 = arith.constant 0 : i32
      %dma_wait3A_186 = tpu.memref_slice %arg5[%scan3A_174, %dma_wait3A_185] : memref<64x128xi32, #tpu.memory_space<vmem>> -> memref<1x128xi32, #tpu.memory_space<vmem>>
      %dma_wait3A_187 = tpu.memref_squeeze %dma_wait3A_186 : memref<1x128xi32, #tpu.memory_space<vmem>> -> memref<128xi32, #tpu.memory_space<vmem>>
      %dma_wait3A_188 = arith.constant 0 : i32
      %dma_wait3A_189 = arith.constant 0 : i32
      %dma_wait3A_190 = tpu.memref_slice %arg7[%dma_wait3A_188, %dma_wait3A_189] : memref<8192x64xf32, #tpu.memory_space<vmem_shared>> -> memref<8192x64xf32, #tpu.memory_space<vmem_shared>>
      %dma_wait3A_191 = tpu.memref_slice %arg8[%rem3A_176] : memref<8x!tpu.dma_semaphore, #tpu.memory_space<semaphore_mem>> -> memref<1x!tpu.dma_semaphore, #tpu.memory_space<semaphore_mem>>
      %dma_wait3A_192 = tpu.memref_squeeze %dma_wait3A_191 : memref<1x!tpu.dma_semaphore, #tpu.memory_space<semaphore_mem>> -> memref<!tpu.dma_semaphore, #tpu.memory_space<semaphore_mem>>
      tpu.wait_indirect_dma semaphore(%dma_wait3A_192 : memref<!tpu.dma_semaphore, #tpu.memory_space<semaphore_mem>>) src(%dma_wait3A_190 : memref<8192x64xf32, #tpu.memory_space<vmem_shared>>) dst(%dma_wait3A_184 : memref<128x64xf32, #tpu.memory_space<vmem>>)
      %add3A_193 = arith.constant 4 : i32
      %add3A_194 = arith.addi %scan3A_174, %add3A_193 : i32
      %ge3A = arith.constant 8 : i32
      %ge3A_195 = arith.cmpi sge, %add3A_194, %ge3A : i32
      %convert_element_type3A = arith.extui %ge3A_195 : i1 to i32
      %cond3A = arith.constant 0 : i32
      %cond3A_196 = arith.cmpi ne, %convert_element_type3A, %cond3A : i32
      scf.if %cond3A_196 {
        %add3A_226 = arith.constant 4 : i32
        %add3A_227 = arith.addi %scan3A_174, %add3A_226 : i32
        %sub3A = arith.constant 8 : i32
        %sub3A_228 = arith.subi %add3A_227, %sub3A : i32
        %add3A_229 = arith.addi %mul3A_8, %sub3A_228 : i32
        %div3A_230 = arith.constant 8 : i32
        %div3A_231 = arith.divsi %add3A_229, %div3A_230 : i32
        %rem3A_232 = arith.constant 8 : i32
        %rem3A_233 = arith.remsi %add3A_229, %rem3A_232 : i32
        %mul3A_234 = arith.constant 128 : i32
        %mul3A_235 = arith.muli %rem3A_233, %mul3A_234 : i32
        %dma_wait3A_236 = arith.constant 0 : i32
        %dma_wait3A_237 = arith.constant 0 : i32
        %dma_wait3A_238 = tpu.memref_slice %arg6[%rem3A_180, %dma_wait3A_236, %dma_wait3A_237] : memref<8x128x64xf32, #tpu.memory_space<vmem>> -> memref<1x128x64xf32, #tpu.memory_space<vmem>>
        %dma_wait3A_239 = tpu.memref_squeeze %dma_wait3A_238 : memref<1x128x64xf32, #tpu.memory_space<vmem>> -> memref<128x64xf32, #tpu.memory_space<vmem>>
        %dma_wait3A_240 = arith.constant 0 : i32
        %dma_wait3A_241 = tpu.memref_slice %arg4[%div3A_231, %mul3A_235, %dma_wait3A_240] : memref<256x1024x64xf32, #tpu.memory_space<hbm>> -> memref<1x128x64xf32, #tpu.memory_space<hbm>>
        %dma_wait3A_242 = tpu.memref_squeeze %dma_wait3A_241 : memref<1x128x64xf32, #tpu.memory_space<hbm>> -> memref<128x64xf32, #tpu.memory_space<hbm>>
        %dma_wait3A_243 = tpu.memref_slice %arg9[%rem3A_180] : memref<8x!tpu.dma_semaphore, #tpu.memory_space<semaphore_mem>> -> memref<1x!tpu.dma_semaphore, #tpu.memory_space<semaphore_mem>>
        %dma_wait3A_244 = tpu.memref_squeeze %dma_wait3A_243 : memref<1x!tpu.dma_semaphore, #tpu.memory_space<semaphore_mem>> -> memref<!tpu.dma_semaphore, #tpu.memory_space<semaphore_mem>>
        %dma_wait3A_245 = arith.constant 0 : i32
        %dma_wait3A_246 = tpu.memref_slice %arg4[%div3A_231, %mul3A_235, %dma_wait3A_245] : memref<256x1024x64xf32, #tpu.memory_space<hbm>> -> memref<1x128x64xf32, #tpu.memory_space<hbm>>
        %dma_wait3A_247 = tpu.memref_squeeze %dma_wait3A_246 : memref<1x128x64xf32, #tpu.memory_space<hbm>> -> memref<128x64xf32, #tpu.memory_space<hbm>>
        %dma_wait3A_248 = arith.constant 0 : i32
        %dma_wait3A_249 = arith.constant 0 : i32
        %dma_wait3A_250 = tpu.memref_slice %arg6[%rem3A_180, %dma_wait3A_248, %dma_wait3A_249] : memref<8x128x64xf32, #tpu.memory_space<vmem>> -> memref<1x128x64xf32, #tpu.memory_space<vmem>>
        %dma_wait3A_251 = tpu.memref_squeeze %dma_wait3A_250 : memref<1x128x64xf32, #tpu.memory_space<vmem>> -> memref<128x64xf32, #tpu.memory_space<vmem>>
        tpu.wait_dma2 semaphore(%dma_wait3A_244 : memref<!tpu.dma_semaphore, #tpu.memory_space<semaphore_mem>>) src(%dma_wait3A_251 : memref<128x64xf32, #tpu.memory_space<vmem>>) dst(%dma_wait3A_247 : memref<128x64xf32, #tpu.memory_space<hbm>>)
      } else {
      }
      %add3A_197 = arith.constant 4 : i32
      %add3A_198 = arith.addi %scan3A_174, %add3A_197 : i32
      %lt3A = arith.constant 64 : i32
      %lt3A_199 = arith.cmpi slt, %add3A_198, %lt3A : i32
      %convert_element_type3A_200 = arith.extui %lt3A_199 : i1 to i32
      %cond3A_201 = arith.constant 0 : i32
      %cond3A_202 = arith.cmpi ne, %convert_element_type3A_200, %cond3A_201 : i32
      scf.if %cond3A_202 {
        %add3A_226 = arith.constant 4 : i32
        %add3A_227 = arith.addi %scan3A_174, %add3A_226 : i32
        %dma_start3A_228 = arith.constant 0 : i32
        %dma_start3A_229 = arith.constant 0 : i32
        %dma_start3A_230 = tpu.memref_slice %arg6[%rem3A_180, %dma_start3A_228, %dma_start3A_229] : memref<8x128x64xf32, #tpu.memory_space<vmem>> -> memref<1x128x64xf32, #tpu.memory_space<vmem>>
        %dma_start3A_231 = tpu.memref_squeeze %dma_start3A_230 : memref<1x128x64xf32, #tpu.memory_space<vmem>> -> memref<128x64xf32, #tpu.memory_space<vmem>>
        %dma_start3A_232 = arith.constant 0 : i32
        %dma_start3A_233 = tpu.memref_slice %arg5[%add3A_227, %dma_start3A_232] : memref<64x128xi32, #tpu.memory_space<vmem>> -> memref<1x128xi32, #tpu.memory_space<vmem>>
        %dma_start3A_234 = tpu.memref_squeeze %dma_start3A_233 : memref<1x128xi32, #tpu.memory_space<vmem>> -> memref<128xi32, #tpu.memory_space<vmem>>
        %dma_start3A_235 = arith.constant 0 : i32
        %dma_start3A_236 = arith.constant 0 : i32
        %dma_start3A_237 = tpu.memref_slice %arg7[%dma_start3A_235, %dma_start3A_236] : memref<8192x64xf32, #tpu.memory_space<vmem_shared>> -> memref<8192x64xf32, #tpu.memory_space<vmem_shared>>
        %dma_start3A_238 = tpu.memref_slice %arg8[%rem3A_180] : memref<8x!tpu.dma_semaphore, #tpu.memory_space<semaphore_mem>> -> memref<1x!tpu.dma_semaphore, #tpu.memory_space<semaphore_mem>>
        %dma_start3A_239 = tpu.memref_squeeze %dma_start3A_238 : memref<1x!tpu.dma_semaphore, #tpu.memory_space<semaphore_mem>> -> memref<!tpu.dma_semaphore, #tpu.memory_space<semaphore_mem>>
        tpu.enqueue_indirect_dma source(%dma_start3A_237 : memref<8192x64xf32, #tpu.memory_space<vmem_shared>>) target(%dma_start3A_231 : memref<128x64xf32, #tpu.memory_space<vmem>>) offsets(%dma_start3A_234 : memref<128xi32, #tpu.memory_space<vmem>>) semaphore(%dma_start3A_239 : memref<!tpu.dma_semaphore, #tpu.memory_space<semaphore_mem>>)
      } else {
      }
      %add3A_203 = arith.addi %mul3A_8, %scan3A_174 : i32
      %div3A_204 = arith.constant 8 : i32
      %div3A_205 = arith.divsi %add3A_203, %div3A_204 : i32
      %rem3A_206 = arith.constant 8 : i32
      %rem3A_207 = arith.remsi %add3A_203, %rem3A_206 : i32
      %mul3A_208 = arith.constant 128 : i32
      %mul3A_209 = arith.muli %rem3A_207, %mul3A_208 : i32
      %dma_start3A_210 = arith.constant 0 : i32
      %dma_start3A_211 = arith.constant 0 : i32
      %dma_start3A_212 = tpu.memref_slice %arg6[%rem3A_176, %dma_start3A_210, %dma_start3A_211] : memref<8x128x64xf32, #tpu.memory_space<vmem>> -> memref<1x128x64xf32, #tpu.memory_space<vmem>>
      %dma_start3A_213 = tpu.memref_squeeze %dma_start3A_212 : memref<1x128x64xf32, #tpu.memory_space<vmem>> -> memref<128x64xf32, #tpu.memory_space<vmem>>
      %dma_start3A_214 = arith.constant 0 : i32
      %dma_start3A_215 = tpu.memref_slice %arg4[%div3A_205, %mul3A_209, %dma_start3A_214] : memref<256x1024x64xf32, #tpu.memory_space<hbm>> -> memref<1x128x64xf32, #tpu.memory_space<hbm>>
      %dma_start3A_216 = tpu.memref_squeeze %dma_start3A_215 : memref<1x128x64xf32, #tpu.memory_space<hbm>> -> memref<128x64xf32, #tpu.memory_space<hbm>>
      %dma_start3A_217 = tpu.memref_slice %arg9[%rem3A_176] : memref<8x!tpu.dma_semaphore, #tpu.memory_space<semaphore_mem>> -> memref<1x!tpu.dma_semaphore, #tpu.memory_space<semaphore_mem>>
      %dma_start3A_218 = tpu.memref_squeeze %dma_start3A_217 : memref<1x!tpu.dma_semaphore, #tpu.memory_space<semaphore_mem>> -> memref<!tpu.dma_semaphore, #tpu.memory_space<semaphore_mem>>
      %dma_start3A_219 = arith.constant 0 : i32
      %dma_start3A_220 = tpu.memref_slice %arg4[%div3A_205, %mul3A_209, %dma_start3A_219] : memref<256x1024x64xf32, #tpu.memory_space<hbm>> -> memref<1x128x64xf32, #tpu.memory_space<hbm>>
      %dma_start3A_221 = tpu.memref_squeeze %dma_start3A_220 : memref<1x128x64xf32, #tpu.memory_space<hbm>> -> memref<128x64xf32, #tpu.memory_space<hbm>>
      %dma_start3A_222 = arith.constant 0 : i32
      %dma_start3A_223 = arith.constant 0 : i32
      %dma_start3A_224 = tpu.memref_slice %arg6[%rem3A_176, %dma_start3A_222, %dma_start3A_223] : memref<8x128x64xf32, #tpu.memory_space<vmem>> -> memref<1x128x64xf32, #tpu.memory_space<vmem>>
      %dma_start3A_225 = tpu.memref_squeeze %dma_start3A_224 : memref<1x128x64xf32, #tpu.memory_space<vmem>> -> memref<128x64xf32, #tpu.memory_space<vmem>>
      tpu.enqueue_dma source(%dma_start3A_225 : memref<128x64xf32, #tpu.memory_space<vmem>>) target(%dma_start3A_221 : memref<128x64xf32, #tpu.memory_space<hbm>>) target_semaphore(%dma_start3A_218 : memref<!tpu.dma_semaphore, #tpu.memory_space<semaphore_mem>>)
    }
    %scan3A_72 = arith.constant 64 : i32
    %add3A_73 = arith.constant 60 : i32
    %add3A_74 = arith.addi %mul3A_8, %add3A_73 : i32
    %div3A = arith.constant 8 : i32
    %div3A_75 = arith.divsi %add3A_74, %div3A : i32
    %rem3A = arith.constant 8 : i32
    %rem3A_76 = arith.remsi %add3A_74, %rem3A : i32
    %mul3A_77 = arith.constant 128 : i32
    %mul3A_78 = arith.muli %rem3A_76, %mul3A_77 : i32
    %dma_wait3A = arith.constant 4 : i32
    %dma_wait3A_79 = arith.constant 4 : i32
    %dma_wait3A_80 = arith.constant 0 : i32
    %dma_wait3A_81 = arith.constant 0 : i32
    %dma_wait3A_82 = tpu.memref_slice %arg6[%dma_wait3A, %dma_wait3A_80, %dma_wait3A_81] : memref<8x128x64xf32, #tpu.memory_space<vmem>> -> memref<1x128x64xf32, #tpu.memory_space<vmem>>
    %dma_wait3A_83 = tpu.memref_squeeze %dma_wait3A_82 : memref<1x128x64xf32, #tpu.memory_space<vmem>> -> memref<128x64xf32, #tpu.memory_space<vmem>>
    %dma_wait3A_84 = arith.constant 0 : i32
    %dma_wait3A_85 = tpu.memref_slice %arg4[%div3A_75, %mul3A_78, %dma_wait3A_84] : memref<256x1024x64xf32, #tpu.memory_space<hbm>> -> memref<1x128x64xf32, #tpu.memory_space<hbm>>
    %dma_wait3A_86 = tpu.memref_squeeze %dma_wait3A_85 : memref<1x128x64xf32, #tpu.memory_space<hbm>> -> memref<128x64xf32, #tpu.memory_space<hbm>>
    %dma_wait3A_87 = tpu.memref_slice %arg9[%dma_wait3A_79] : memref<8x!tpu.dma_semaphore, #tpu.memory_space<semaphore_mem>> -> memref<1x!tpu.dma_semaphore, #tpu.memory_space<semaphore_mem>>
    %dma_wait3A_88 = tpu.memref_squeeze %dma_wait3A_87 : memref<1x!tpu.dma_semaphore, #tpu.memory_space<semaphore_mem>> -> memref<!tpu.dma_semaphore, #tpu.memory_space<semaphore_mem>>
    %dma_wait3A_89 = arith.constant 0 : i32
    %dma_wait3A_90 = tpu.memref_slice %arg4[%div3A_75, %mul3A_78, %dma_wait3A_89] : memref<256x1024x64xf32, #tpu.memory_space<hbm>> -> memref<1x128x64xf32, #tpu.memory_space<hbm>>
    %dma_wait3A_91 = tpu.memref_squeeze %dma_wait3A_90 : memref<1x128x64xf32, #tpu.memory_space<hbm>> -> memref<128x64xf32, #tpu.memory_space<hbm>>
    %dma_wait3A_92 = arith.constant 0 : i32
    %dma_wait3A_93 = arith.constant 0 : i32
    %dma_wait3A_94 = tpu.memref_slice %arg6[%dma_wait3A, %dma_wait3A_92, %dma_wait3A_93] : memref<8x128x64xf32, #tpu.memory_space<vmem>> -> memref<1x128x64xf32, #tpu.memory_space<vmem>>
    %dma_wait3A_95 = tpu.memref_squeeze %dma_wait3A_94 : memref<1x128x64xf32, #tpu.memory_space<vmem>> -> memref<128x64xf32, #tpu.memory_space<vmem>>
    tpu.wait_dma2 semaphore(%dma_wait3A_88 : memref<!tpu.dma_semaphore, #tpu.memory_space<semaphore_mem>>) src(%dma_wait3A_95 : memref<128x64xf32, #tpu.memory_space<vmem>>) dst(%dma_wait3A_91 : memref<128x64xf32, #tpu.memory_space<hbm>>)
    %add3A_96 = arith.constant 61 : i32
    %add3A_97 = arith.addi %mul3A_8, %add3A_96 : i32
    %div3A_98 = arith.constant 8 : i32
    %div3A_99 = arith.divsi %add3A_97, %div3A_98 : i32
    %rem3A_100 = arith.constant 8 : i32
    %rem3A_101 = arith.remsi %add3A_97, %rem3A_100 : i32
    %mul3A_102 = arith.constant 128 : i32
    %mul3A_103 = arith.muli %rem3A_101, %mul3A_102 : i32
    %dma_wait3A_104 = arith.constant 5 : i32
    %dma_wait3A_105 = arith.constant 5 : i32
    %dma_wait3A_106 = arith.constant 0 : i32
    %dma_wait3A_107 = arith.constant 0 : i32
    %dma_wait3A_108 = tpu.memref_slice %arg6[%dma_wait3A_104, %dma_wait3A_106, %dma_wait3A_107] : memref<8x128x64xf32, #tpu.memory_space<vmem>> -> memref<1x128x64xf32, #tpu.memory_space<vmem>>
    %dma_wait3A_109 = tpu.memref_squeeze %dma_wait3A_108 : memref<1x128x64xf32, #tpu.memory_space<vmem>> -> memref<128x64xf32, #tpu.memory_space<vmem>>
    %dma_wait3A_110 = arith.constant 0 : i32
    %dma_wait3A_111 = tpu.memref_slice %arg4[%div3A_99, %mul3A_103, %dma_wait3A_110] : memref<256x1024x64xf32, #tpu.memory_space<hbm>> -> memref<1x128x64xf32, #tpu.memory_space<hbm>>
    %dma_wait3A_112 = tpu.memref_squeeze %dma_wait3A_111 : memref<1x128x64xf32, #tpu.memory_space<hbm>> -> memref<128x64xf32, #tpu.memory_space<hbm>>
    %dma_wait3A_113 = tpu.memref_slice %arg9[%dma_wait3A_105] : memref<8x!tpu.dma_semaphore, #tpu.memory_space<semaphore_mem>> -> memref<1x!tpu.dma_semaphore, #tpu.memory_space<semaphore_mem>>
    %dma_wait3A_114 = tpu.memref_squeeze %dma_wait3A_113 : memref<1x!tpu.dma_semaphore, #tpu.memory_space<semaphore_mem>> -> memref<!tpu.dma_semaphore, #tpu.memory_space<semaphore_mem>>
    %dma_wait3A_115 = arith.constant 0 : i32
    %dma_wait3A_116 = tpu.memref_slice %arg4[%div3A_99, %mul3A_103, %dma_wait3A_115] : memref<256x1024x64xf32, #tpu.memory_space<hbm>> -> memref<1x128x64xf32, #tpu.memory_space<hbm>>
    %dma_wait3A_117 = tpu.memref_squeeze %dma_wait3A_116 : memref<1x128x64xf32, #tpu.memory_space<hbm>> -> memref<128x64xf32, #tpu.memory_space<hbm>>
    %dma_wait3A_118 = arith.constant 0 : i32
    %dma_wait3A_119 = arith.constant 0 : i32
    %dma_wait3A_120 = tpu.memref_slice %arg6[%dma_wait3A_104, %dma_wait3A_118, %dma_wait3A_119] : memref<8x128x64xf32, #tpu.memory_space<vmem>> -> memref<1x128x64xf32, #tpu.memory_space<vmem>>
    %dma_wait3A_121 = tpu.memref_squeeze %dma_wait3A_120 : memref<1x128x64xf32, #tpu.memory_space<vmem>> -> memref<128x64xf32, #tpu.memory_space<vmem>>
    tpu.wait_dma2 semaphore(%dma_wait3A_114 : memref<!tpu.dma_semaphore, #tpu.memory_space<semaphore_mem>>) src(%dma_wait3A_121 : memref<128x64xf32, #tpu.memory_space<vmem>>) dst(%dma_wait3A_117 : memref<128x64xf32, #tpu.memory_space<hbm>>)
    %add3A_122 = arith.constant 62 : i32
    %add3A_123 = arith.addi %mul3A_8, %add3A_122 : i32
    %div3A_124 = arith.constant 8 : i32
    %div3A_125 = arith.divsi %add3A_123, %div3A_124 : i32
    %rem3A_126 = arith.constant 8 : i32
    %rem3A_127 = arith.remsi %add3A_123, %rem3A_126 : i32
    %mul3A_128 = arith.constant 128 : i32
    %mul3A_129 = arith.muli %rem3A_127, %mul3A_128 : i32
    %dma_wait3A_130 = arith.constant 6 : i32
    %dma_wait3A_131 = arith.constant 6 : i32
    %dma_wait3A_132 = arith.constant 0 : i32
    %dma_wait3A_133 = arith.constant 0 : i32
    %dma_wait3A_134 = tpu.memref_slice %arg6[%dma_wait3A_130, %dma_wait3A_132, %dma_wait3A_133] : memref<8x128x64xf32, #tpu.memory_space<vmem>> -> memref<1x128x64xf32, #tpu.memory_space<vmem>>
    %dma_wait3A_135 = tpu.memref_squeeze %dma_wait3A_134 : memref<1x128x64xf32, #tpu.memory_space<vmem>> -> memref<128x64xf32, #tpu.memory_space<vmem>>
    %dma_wait3A_136 = arith.constant 0 : i32
    %dma_wait3A_137 = tpu.memref_slice %arg4[%div3A_125, %mul3A_129, %dma_wait3A_136] : memref<256x1024x64xf32, #tpu.memory_space<hbm>> -> memref<1x128x64xf32, #tpu.memory_space<hbm>>
    %dma_wait3A_138 = tpu.memref_squeeze %dma_wait3A_137 : memref<1x128x64xf32, #tpu.memory_space<hbm>> -> memref<128x64xf32, #tpu.memory_space<hbm>>
    %dma_wait3A_139 = tpu.memref_slice %arg9[%dma_wait3A_131] : memref<8x!tpu.dma_semaphore, #tpu.memory_space<semaphore_mem>> -> memref<1x!tpu.dma_semaphore, #tpu.memory_space<semaphore_mem>>
    %dma_wait3A_140 = tpu.memref_squeeze %dma_wait3A_139 : memref<1x!tpu.dma_semaphore, #tpu.memory_space<semaphore_mem>> -> memref<!tpu.dma_semaphore, #tpu.memory_space<semaphore_mem>>
    %dma_wait3A_141 = arith.constant 0 : i32
    %dma_wait3A_142 = tpu.memref_slice %arg4[%div3A_125, %mul3A_129, %dma_wait3A_141] : memref<256x1024x64xf32, #tpu.memory_space<hbm>> -> memref<1x128x64xf32, #tpu.memory_space<hbm>>
    %dma_wait3A_143 = tpu.memref_squeeze %dma_wait3A_142 : memref<1x128x64xf32, #tpu.memory_space<hbm>> -> memref<128x64xf32, #tpu.memory_space<hbm>>
    %dma_wait3A_144 = arith.constant 0 : i32
    %dma_wait3A_145 = arith.constant 0 : i32
    %dma_wait3A_146 = tpu.memref_slice %arg6[%dma_wait3A_130, %dma_wait3A_144, %dma_wait3A_145] : memref<8x128x64xf32, #tpu.memory_space<vmem>> -> memref<1x128x64xf32, #tpu.memory_space<vmem>>
    %dma_wait3A_147 = tpu.memref_squeeze %dma_wait3A_146 : memref<1x128x64xf32, #tpu.memory_space<vmem>> -> memref<128x64xf32, #tpu.memory_space<vmem>>
    tpu.wait_dma2 semaphore(%dma_wait3A_140 : memref<!tpu.dma_semaphore, #tpu.memory_space<semaphore_mem>>) src(%dma_wait3A_147 : memref<128x64xf32, #tpu.memory_space<vmem>>) dst(%dma_wait3A_143 : memref<128x64xf32, #tpu.memory_space<hbm>>)
    %add3A_148 = arith.constant 63 : i32
    %add3A_149 = arith.addi %mul3A_8, %add3A_148 : i32
    %div3A_150 = arith.constant 8 : i32
    %div3A_151 = arith.divsi %add3A_149, %div3A_150 : i32
    %rem3A_152 = arith.constant 8 : i32
    %rem3A_153 = arith.remsi %add3A_149, %rem3A_152 : i32
    %mul3A_154 = arith.constant 128 : i32
    %mul3A_155 = arith.muli %rem3A_153, %mul3A_154 : i32
    %dma_wait3A_156 = arith.constant 7 : i32
    %dma_wait3A_157 = arith.constant 7 : i32
    %dma_wait3A_158 = arith.constant 0 : i32
    %dma_wait3A_159 = arith.constant 0 : i32
    %dma_wait3A_160 = tpu.memref_slice %arg6[%dma_wait3A_156, %dma_wait3A_158, %dma_wait3A_159] : memref<8x128x64xf32, #tpu.memory_space<vmem>> -> memref<1x128x64xf32, #tpu.memory_space<vmem>>
    %dma_wait3A_161 = tpu.memref_squeeze %dma_wait3A_160 : memref<1x128x64xf32, #tpu.memory_space<vmem>> -> memref<128x64xf32, #tpu.memory_space<vmem>>
    %dma_wait3A_162 = arith.constant 0 : i32
    %dma_wait3A_163 = tpu.memref_slice %arg4[%div3A_151, %mul3A_155, %dma_wait3A_162] : memref<256x1024x64xf32, #tpu.memory_space<hbm>> -> memref<1x128x64xf32, #tpu.memory_space<hbm>>
    %dma_wait3A_164 = tpu.memref_squeeze %dma_wait3A_163 : memref<1x128x64xf32, #tpu.memory_space<hbm>> -> memref<128x64xf32, #tpu.memory_space<hbm>>
    %dma_wait3A_165 = tpu.memref_slice %arg9[%dma_wait3A_157] : memref<8x!tpu.dma_semaphore, #tpu.memory_space<semaphore_mem>> -> memref<1x!tpu.dma_semaphore, #tpu.memory_space<semaphore_mem>>
    %dma_wait3A_166 = tpu.memref_squeeze %dma_wait3A_165 : memref<1x!tpu.dma_semaphore, #tpu.memory_space<semaphore_mem>> -> memref<!tpu.dma_semaphore, #tpu.memory_space<semaphore_mem>>
    %dma_wait3A_167 = arith.constant 0 : i32
    %dma_wait3A_168 = tpu.memref_slice %arg4[%div3A_151, %mul3A_155, %dma_wait3A_167] : memref<256x1024x64xf32, #tpu.memory_space<hbm>> -> memref<1x128x64xf32, #tpu.memory_space<hbm>>
    %dma_wait3A_169 = tpu.memref_squeeze %dma_wait3A_168 : memref<1x128x64xf32, #tpu.memory_space<hbm>> -> memref<128x64xf32, #tpu.memory_space<hbm>>
    %dma_wait3A_170 = arith.constant 0 : i32
    %dma_wait3A_171 = arith.constant 0 : i32
    %dma_wait3A_172 = tpu.memref_slice %arg6[%dma_wait3A_156, %dma_wait3A_170, %dma_wait3A_171] : memref<8x128x64xf32, #tpu.memory_space<vmem>> -> memref<1x128x64xf32, #tpu.memory_space<vmem>>
    %dma_wait3A_173 = tpu.memref_squeeze %dma_wait3A_172 : memref<1x128x64xf32, #tpu.memory_space<vmem>> -> memref<128x64xf32, #tpu.memory_space<vmem>>
    tpu.wait_dma2 semaphore(%dma_wait3A_166 : memref<!tpu.dma_semaphore, #tpu.memory_space<semaphore_mem>>) src(%dma_wait3A_173 : memref<128x64xf32, #tpu.memory_space<vmem>>) dst(%dma_wait3A_169 : memref<128x64xf32, #tpu.memory_space<hbm>>)
    return
  }
}

</mosaic_0001>

<sc_bundles>
// kernel: kernel.3.cloned.1.call-start
scs
__scs_entry_jumppad:
0x0: {  	(pc) =	sbr.rel $0x88, $3  }
0x1: {  	(tag) =	ssettag $0x0;
	lr =	simm.s32 $0x1  }
0x2: {  	[smem:$0x3F9F] =	sst lr;
	_ =	strace $0xD0000000  }
0x3: {  	_ = 	snop  }
0x4: {  	_ = 	snop  }
0x5: {  	_ = 	snop  }
0x6: {  	_ = 	snop  }
0x7: {  	_ = 	snop  }
__scs_overlays_trampoline_lowered:
0x8: {  	[smem:$0x3FAE] =	sst s0  }
0x9: {  	[smem:$0x3FAF] =	sst s1  }
0xa: {  	[smem:$0x3FB0] =	sst s2  }
0xb: {  	[smem:$0x3FB1] =	sst s3  }
0xc: {  	[smem:$0x3FB2] =	sst s4  }
0xd: {  	[smem:$0x3FB3] =	sst s5  }
0xe: {  	[smem:$0x3FB4] =	sst s6  }
0xf: {  	[smem:$0x3FB5] =	sst s7  }
0x10: {  	[smem:$0x3FB6] =	sst s8  }
0x11: {  	[smem:$0x3FB7] =	sst s9;
	s0 =	simm.s32 @!p0 $0x0  }
0x12: {  	s1 =	sld [smem:$0x3F9D];
	s0 =	simm.s32 @p0 $0x1  }
0x13: {  	[smem:$0x3FB8] =	sst s0;
	s0 =	simm.s32 @!p1 $0x0  }
0x14: {  	s2 =	sld [smem:$0x3F9C];
	s0 =	simm.s32 @p1 $0x1  }
0x15: {  	[smem:$0x3FB9] =	sst s0;
	s0 =	simm.s32 @!p2 $0x0  }
0x16: {  	s3 =	sld [smem:$0x3FDB];
	s0 =	simm.s32 @p2 $0x1  }
0x17: {  	s4 =	simm.s32 $0x1BF5;
	[smem:$0x3FBB] =	sst s0  }
0x18: {  	s0 =	sld [smem:$0x3F9E];
	_ =	swait.ge [sflag:s4], $0x0  }
0x19: {  	s7 =	sld [smem:$0x3F9F]  }
0x1a: {  	s8 =	sadd.s32 $0xFFFFE003, lr  }
0x1b: {  	s9 =	sadd.s32 $0xFFFFFEF7, lr;
	s5 =	simm.s32 $0xFFFFFFFF;
	p2 =	slt.u32 s8, $0xFFFFF086  }
0x1c: {  	p1 =	slt.u32 s9, $0xF7A;
	s5 =	simm.s32 @!p2 $0x0  }
0x1d: {  	s5 =	simm.s32 @p1 $0x1;
	p0 =	seq.s32 s7, s2  }
0x1e: {  	s7 =	smul.u32 @!p0 $0xF7A, s2;
	p2 =	seq.s32 @!p0 s5, $0x0  }
0x1f: {  	s9 =	smul.u32 $0xF7A, s1;
	s8 =	simm.s32 @!p0 $0x1BF5;
	p2 =	por !p2, p0  }
0x20: {  	[sflag:s8] =	ssyncset.s32 @!p0 $0xFFFFF086;
	s6 =	sadd.s32 @!p0 s3, s7;
	s7 =	simm.s32 @!p0 $0x108  }
0x21: {  	s3 =	sadd.s32 s3, s9;
	s6 =	sadd.s32 @!p0 $0x88, s6;
	s7 =	simm.s32 @p2 $0x1082  }
0x22: {  	[simem:s7], [sflag:s8] =	dma.local @!p0 [hbm:s6], $0xF7A  }
0x23: {  	s9 =	sor.u32 $0xD0000000, s2;
	s6 =	simm.s32 $0x108;
	_ =	swait.ge @!p0 [sflag:s8], $0x0  }
0x24: {  	s3 =	sadd.s32 $0x88, s3;
	s6 =	simm.s32 @!p1 $0x1082;
	[sflag:s4] =	ssyncset.s32 $0xFFFFF086  }
0x25: {  	[simem:s6], [sflag:s4] =	dma.local [hbm:s3], $0xF7A  }
0x26: {  	[smem:$0x3F9F] =	sst s1;
	(tag) =	ssettag s2;
	_ =	strace s9  }
0x27: {  	s1 =	sld [smem:$0x3FAF]  }
0x28: {  	s2 =	sld [smem:$0x3FB0]  }
0x29: {  	s4 =	sld [smem:$0x3FB2]  }
0x2a: {  	p0 =	seq.s32 s5, $0x0;
	s5 =	sld [smem:$0x3FB3]  }
0x2b: {  	s6 =	sld [smem:$0x3FB4]  }
0x2c: {  	s7 =	sld [smem:$0x3FB5]  }
0x2d: {  	s3 =	simm.s32 $0x108;
	s8 =	sld [smem:$0x3FB6]  }
0x2e: {  	s3 =	simm.s32 @!p0 $0x1082;
	s9 =	sld [smem:$0x3FB7]  }
0x2f: {  	lr =	sadd.s32 s0, s3;
	s0 =	sld [smem:$0x3FAE]  }
0x30: {  	s3 =	sld [smem:$0x3FB1]  }
0x31: {  	[smem:$0x3FBA] =	sst s10  }
0x32: {  	s10 =	sld [smem:$0x3FB8];
	_ =	sdelay $0x3  }
0x33: {  	p0 =	seq.s32 s10, $0x1;
	s10 =	sld [smem:$0x3FBA];
	_ =	sdelay $0x3  }
0x34: {  	[smem:$0x3FBA] =	sst s10  }
0x35: {  	s10 =	sld [smem:$0x3FB9];
	_ =	sdelay $0x3  }
0x36: {  	p1 =	seq.s32 s10, $0x1;
	s10 =	sld [smem:$0x3FBA];
	_ =	sdelay $0x3  }
0x37: {  	[smem:$0x3FBA] =	sst s10  }
0x38: {  	s10 =	sld [smem:$0x3FBB]  }
0x39: {  	_ = 	snop;
	(pc) =	sbr.ind lr, $3  }
0x3a: {  	_ = 	snop  }
0x3b: {  	_ = 	snop  }
0x3c: {  	p2 =	seq.s32 s10, $0x1;
	s10 =	sld [smem:$0x3FBA]  }
0x3d: {  	_ =	shalt  }
0x3e: {  	_ =	shalt  }
0x3f: {  	_ =	shalt  }
0x40: {  	_ =	shalt  }
0x41: {  	_ =	shalt  }
0x42: {  	_ =	shalt  }
0x43: {  	_ =	shalt  }
0x44: {  	_ =	shalt  }
0x45: {  	_ =	shalt  }
0x46: {  	_ =	shalt  }
0x47: {  	_ =	shalt  }
0x48: {  	_ =	shalt  }
0x49: {  	_ =	shalt  }
0x4a: {  	_ =	shalt  }
0x4b: {  	_ =	shalt  }
0x4c: {  	_ =	shalt  }
0x4d: {  	_ =	shalt  }
0x4e: {  	_ =	shalt  }
0x4f: {  	_ =	shalt  }
0x50: {  	_ =	shalt  }
0x51: {  	_ =	shalt  }
0x52: {  	_ =	shalt  }
0x53: {  	_ =	shalt  }
0x54: {  	_ =	shalt  }
0x55: {  	_ =	shalt  }
0x56: {  	_ =	shalt  }
0x57: {  	_ =	shalt  }
0x58: {  	_ =	shalt  }
0x59: {  	_ =	shalt  }
0x5a: {  	_ =	shalt  }
0x5b: {  	_ =	shalt  }
0x5c: {  	_ =	shalt  }
0x5d: {  	_ =	shalt  }
0x5e: {  	_ =	shalt  }
0x5f: {  	_ =	shalt  }
0x60: {  	_ =	shalt  }
0x61: {  	_ =	shalt  }
0x62: {  	_ =	shalt  }
0x63: {  	_ =	shalt  }
0x64: {  	_ =	shalt  }
0x65: {  	_ =	shalt  }
0x66: {  	_ =	shalt  }
0x67: {  	_ =	shalt  }
0x68: {  	_ =	shalt  }
0x69: {  	_ =	shalt  }
0x6a: {  	_ =	shalt  }
0x6b: {  	_ =	shalt  }
0x6c: {  	_ =	shalt  }
0x6d: {  	_ =	shalt  }
0x6e: {  	_ =	shalt  }
0x6f: {  	_ =	shalt  }
0x70: {  	_ =	shalt  }
0x71: {  	_ =	shalt  }
0x72: {  	_ =	shalt  }
0x73: {  	_ =	shalt  }
0x74: {  	_ =	shalt  }
0x75: {  	_ =	shalt  }
0x76: {  	_ =	shalt  }
0x77: {  	_ =	shalt  }
0x78: {  	_ =	shalt  }
0x79: {  	_ =	shalt  }
0x7a: {  	_ =	shalt  }
0x7b: {  	_ =	shalt  }
0x7c: {  	_ =	shalt  }
0x7d: {  	_ =	shalt  }
0x7e: {  	_ =	shalt  }
0x7f: {  	_ =	shalt  }
0x80: {  	_ =	shalt  }
0x81: {  	_ =	shalt  }
0x82: {  	_ =	shalt  }
0x83: {  	_ =	shalt  }
0x84: {  	_ =	shalt  }
0x85: {  	_ =	shalt  }
0x86: {  	_ =	shalt  }
0x87: {  	_ =	shalt  }
.Lfunc_end0:
.L_simem_size_0:
called_computation.1_lowered:
.L_overlay_start_0:
0x88: {  	s2 =	sld [smem:$0x3FD9]  }
0x89: {  	s3 =	sld [smem:$0x3FFE];
	_ =	sdelay $0x1  }
0x8a: {  	s1 =	srdreg.scid  }
0x8b: {  	s0 =	sand.u32 $0x1, s1  }
0x8c: {  	s17 =	sshll.u32 s0, $0xA;
	s2 =	sadd.s32 s3, s2  }
0x8d: {  	s2 =	sadd.s32 s2, s17  }
0x8e: {  	[smem:$0x3FC6] =	sst s2  }
0x8f: {  	_ = 	snop  }
0x90: {  	s2 =	sld [smem:$0x3FD0];
	(tm) =	ssettm $0x1  }
0x91: {  	s18 =	sld [smem:$0x3FFB];
	_ =	sdelay $0x3  }
0x92: {  	_ =	strace s18  }
0x93: {  	s3 =	sld [smem:$0x3FFC];
	_ =	sdelay $0x3  }
0x94: {  	_ =	strace s3  }
0x95: {  	s3 =	sld [smem:$0x3FFD];
	_ =	sdelay $0x3  }
0x96: {  	_ =	strace s3  }
0x97: {  	_ =	strace $0x8FFFFFFF  }
0x98: {  	s19 =	sld [smem:$0x3FDB];
	_ =	sdelay $0x1  }
0x99: {  	s4 =	simm.s32 $_scs_section_size  }
0x9a: {  	s5 =	simm.s32 $_size__tile_overlayer_lowered;
	s6 =	simm.s32 $_tile_overlayer_lowered  }
0x9b: {  	s22 =	simm.s32 $0x1BFF;
	s21 =	sshll.u32 s6, $0x1;
	s3 =	sadd.s32 s4, s19  }
0x9c: {  	s7 =	simm.s32 $0x0;
	s20 =	sshll.u32 s5, $0x1;
	s5 =	sadd.s32 s21, s3  }
0x9d: {  	[timem:s7], [sflag:s22] =	dma.local [hbm:s5], s20  }
0x9e: {  	_ =	swait.ge [sflag:s22], s20  }
0x9f: {  	s4 =	ssub.s32 $0x0, s20;
	[sflag:s22] =	ssyncset.done $0x0  }
0xa0: {  	[sflag:s22] =	ssyncadd.s32 s4;
	_ =	sdelay $0x1  }
0xa1: {  	s23 =	simm.s32 $0x1B8B  }
0xa2: {  	_ =	swait.ge [sflag:s23], $0x1  }
0xa3: {  	[sflag:s23] =	ssyncset.done $0x0  }
0xa4: {  	s25 =	simm.s32 $0x1B8E;
	s24 =	sld [smem:$0x3FFE];
	[sflag:s23] =	ssyncadd.s32 $0xFFFFFFFF  }
0xa5: {  	s26 =	simm.s32 $execute0_lowered;
	[smem:$0x3FD2] =	sst s25  }
0xa6: {  	s5 =	sshll.u32 s26, $0x1;
	_ =	strace $0x80000046;
	[dreg:$0x1] =	wrdreg $0xFFFFFFFF  }
0xa7: {  	s28 =	simm.s32 $_size_execute0_lowered;
	s3 =	sadd.s32 s3, s5;
	[dreg:$0x0] =	wrdreg $0x0  }
0xa8: {  	s5 =	sshll.u32 s28, $0x1;
	[dreg:$0x2] =	wrdreg s3  }
0xa9: {  	[dreg:$0x3] =	wrdreg s5  }
0xaa: {  	[dreg:$0x4] =	wrdreg $0xC0  }
0xab: {  	_ =	task [dreg:s7], $0x5FFFF  }
0xac: {  	[dreg:$0x1] =	wrdreg $0xFFFFFFFF  }
0xad: {  	[dreg:$0x0] =	wrdreg $0x60  }
0xae: {  	[dreg:$0x2] =	wrdreg s24  }
0xaf: {  	[dreg:$0x3] =	wrdreg s2  }
0xb0: {  	[dreg:$0x4] =	wrdreg $0x120000  }
0xb1: {  	[dreg:$0x5] =	wrdreg $0x9  }
0xb2: {  	_ =	task.clear_ibuf [dreg:s7], $0x6FFFF;
	_ =	strace $0x90000046  }
0xb3: {  	s29 =	simm.s32 $0x9;
	_ =	strace $0x80000048  }
0xb4: {  	_ =	swait.ge [sflag:s29], $0x1  }
0xb5: {  	[sflag:s29] =	ssyncadd.s32 $0xFFFFFFFF  }
0xb6: {  	_ =	strace $0x90000048  }
0xb7: {  	_ =	sfence  }
0xb8: {  	s30 =	sld [smem:$0x0];
	_ =	sdelay $0x2  }
0xb9: {  	s31 =	sshll.u32 s1, $0xD;
	s1 =	sshrl.u32 s1, $0x2  }
0xba: {  	s3 =	sand.u32 $0x4000, s31;
	s1 =	sadd.s32 s1, s30  }
0xbb: {  	s0 =	sor.u32 s3, s0;
	s1 =	sshll.u32 s1, $0x11  }
0xbc: {  	s0 =	sor.u32 s1, s0  }
0xbd: {  	s0 =	sadd.s32 $0x8F2B, s0  }
0xbe: {  	[sflag:s0] =	ssyncadd.remote.s32 $0x1  }
0xbf: {  	_ =	sfence.sel $0xFFFF  }
0xc0: {  	[dreg:$0x0] =	wrdreg $0xFFFFFFFF;
	(pc) =	sbr.abs _section_cstart, $3  }
0xc1: {  	[dreg:$0x1] =	wrdreg $0xFFFFFFFF  }
0xc2: {  	_ =	task.clear_ibuf [dreg:s7], $0x2FFFF;
	_ =	strace $0x9FFFFFFF  }
0xc3: {  	(tm) =	ssettm $0x7FFFFFFF  }
tec
execute0_lowered:
.L_overlay_start_1:
0x0: {  	(tag) =	ssettag $0x1  }
0x1: {  	s5 =	rddreg [dreg:$0x0]  }
0x2: {  	s2 =	rddreg [dreg:$0x1]  }
0x3: {  	s3 =	rddreg [dreg:$0x2]  }
0x4: {  	s4 =	srdreg.scid;
	s0 =	stileid.u32  }
0x5: {  	s13 =	simm.s32 $0x10;
	s14 =	simm.s32 $0x11;
	s15 =	simm.s32 $0x80  }
0x6: {  	s16 =	simm.s32 $0x2000;
	s17 =	simm.s32 $0x4000;
	s18 =	simm.s32 $0x100  }
0x7: {  	s19 =	simm.s32 $0x6000;
	s20 =	simm.s32 $0x180;
	s21 =	simm.s32 $0x8000  }
0x8: {  	s22 =	simm.s32 $0xD;
	s23 =	simm.s32 $0xE;
	s24 =	simm.s32 $0xF  }
0x9: {  	s25 =	simm.s32 $0x0;
	s8 =	sand.u32 $0x1, s4;
	s4 =	simm.s32 $0x0  }
0xa: {  	s6 =	sshll.u32 s0, $0xB;
	s9 =	sshll.u32 s0, $0xD;
	s11 =	sshll.u32 s0, $0x11  }
0xb: {  	s31 =	sshll.u32 s0, $0x6;
	s7 =	sshll.u32 s8, $0xA;
	[smem:$0x7FF] =	sst s4  }
0xc: {  	s26 =	ssub.s32 $0x2, s8;
	s29 =	sshrl.u32 s11, $0x2;
	s12 =	sshll.u32 s8, $0x10  }
0xd: {  	s6 =	sor.u32 s7, s6;
	_ =	strace $0x80000047;
	s10 =	sshrl.u32 s26, $0x1  }
0xe: {  	s30 =	sadd.s32 s29, s3;
	s7 =	sadd.s32 s6, s5;
	s5 =	sadd.s32 s9, s5  }
0xf: {  	s28 =	ssub.s32 s26, s10;
	s6 =	sor.u32 $0x1C11, s31;
	s9 =	sor.u32 s12, s11  }
0x10: {  	s10 =	sshrl.u32 s30, $0x3;
	s11 =	simm.s32 $0x1;
	s12 =	simm.s32 $0x8  }
0x11: {  	s5 =	sadd.s32 $0x8A00, s5;
	s7 =	sadd.s32 $0xA00, s7;
	s8 =	smax.u32 s28, $0x1  }
.LBB2_1:
0x12: {  	[spmem:s10@s12], [sflag:s6] =	dma.strided [hbm:s5@s13], $0x1000, s11, $0x8   }
0x13: {  	_ =	swait.ge [sflag:s14], $0x1000  }
0x14: {  	[sflag:s14] =	ssyncset.done $0x0  }
0x15: {  	[sflag:s14] =	ssyncadd.s32 $0xFFFFF000  }
0x16: {  	[tilespmem:s4], [sflag:$0x11] =	stream.linear.gather [hbm4b:s7+s4], $0x2000, $0x38;
	[tilespmem:$0x1A000] =	vst v63  }
0x17: {  	_ =	swait.ge [sflag:s14], $0x2000  }
0x18: {  	[sflag:s14] =	ssyncset.done $0x0  }
0x19: {  	[sflag:s14] =	ssyncadd.s32 $0xFFFFE000  }
0x1a: {  	[bflag:$0x0] =	sbarrier.arrive $0xFFFF  }
0x1b: {  	[tilespmem:s16], [sflag:$0x1] =	stream.indirect.gather [spmem:s3], $0x40, s4, s15, $0xb8;
	[tilespmem:$0x1A000] =	vst v63  }
0x1c: {  	_ = 	snop  }
0x1d: {  	[tilespmem:s17], [sflag:$0x2] =	stream.indirect.gather [spmem:s3], $0x40, s15, s15, $0xb8;
	[tilespmem:$0x1A000] =	vst v63  }
0x1e: {  	_ = 	snop  }
0x1f: {  	[tilespmem:s19], [sflag:$0x3] =	stream.indirect.gather [spmem:s3], $0x40, s18, s15, $0xb8;
	[tilespmem:$0x1A000] =	vst v63  }
0x20: {  	s26 =	simm.s32 $0x200;
	s28 =	simm.s32 $0x0;
	s29 =	simm.s32 $0x0  }
0x21: {  	[tilespmem:s21], [sflag:$0x4] =	stream.indirect.gather [spmem:s3], $0x40, s20, s15, $0xb8;
	[tilespmem:$0x1A000] =	vst v63  }
.LBB2_2:
0x22: {  	s30 =	sand.u32 $0x7, s29  }
0x23: {  	s0 =	sadd.s32 $0x1, s30  }
0x24: {  	s31 =	sadd.s32 $0x4, s29;
	_ =	swait.ge [sflag:s0], $0x2000  }
0x25: {  	p0 =	slt.u32 s29, $0x4;
	s31 =	sand.u32 $0x7, s31;
	[sflag:s0] =	ssyncset.done $0x0  }
0x26: {  	[sflag:s0] =	ssyncadd.s32 $0xFFFFE000;
	s0 =	sadd.s32 @!p0 $0x9, s31  }
0x27: {  	p1 =	sgt.u32 @!p0 s29, $0x3B;
	_ =	swait.ge @!p0 [sflag:s0], $0x2000  }
0x28: {  	p1 =	por p0, !p1;
	[sflag:s0] =	ssyncset.done @!p0 $0x0  }
0x29: {  	s29 =	sadd.s32 $0x1, s29;
	[sflag:s0] =	ssyncadd.s32 @!p0 $0xFFFFE000;
	s0 =	sshll.u32 @p1 s31, $0xD  }
0x2a: {  	s31 =	sadd.s32 @p1 $0x1, s31;
	p0 =	sne.s32 s29, $0x40;
	s0 =	sadd.s32 @p1 $0x2000, s0  }
0x2b: {  	[tilespmem:s0], [sflag:s31] =	stream.indirect.gather @p1 [spmem:s3], $0x40, s26, s15, $0xb8;
	[tilespmem:$0x1A000] =	vst v63  }
.Ltmp0:
0x2c: {  	s1 =	sshll.u32 s30, $0xD;
	(pc) =	sbr.rel @p0 .LBB2_2-.Ltmp0, $4  }
0x2d: {  	s30 =	sadd.s32 $0x9, s30;
	s0 =	sadd.s32 s28, s9;
	s31 =	sand.u32 $0x1C00, s28  }
0x2e: {  	s1 =	sadd.s32 $0x2000, s1;
	s0 =	sand.u32 $0x1FE000, s0;
	s31 =	sadd.s32 s2, s31  }
0x2f: {  	s26 =	sadd.s32 $0x80, s26;
	s28 =	sadd.s32 $0x400, s28;
	s0 =	sadd.s32 s0, s31  }
0x30: {  	[hbm4b:s0+s4] =	stream.linear.scatter [tilespmem:s1], [sflag:s30], $0x2000, $0x38;
	[tilespmem:$0x1A000] =	vst v63  }
0x31: {  	_ =	swait.ge [sflag:s22], $0x2000  }
0x32: {  	[sflag:s22] =	ssyncset.done $0x0  }
0x33: {  	[sflag:s22] =	ssyncadd.s32 $0xFFFFE000  }
0x34: {  	_ =	swait.ge [sflag:s23], $0x2000  }
0x35: {  	[sflag:s23] =	ssyncset.done $0x0  }
0x36: {  	s25 =	sadd.s32 $0x1, s25;
	[sflag:s23] =	ssyncadd.s32 $0xFFFFE000  }
0x37: {  	p0 =	sne.s32 s25, s8;
	_ =	swait.ge [sflag:s24], $0x2000  }
.Ltmp1:
0x38: {  	[sflag:s24] =	ssyncset.done $0x0;
	(pc) =	sbr.rel @p0 .LBB2_1-.Ltmp1, $4  }
0x39: {  	[sflag:s24] =	ssyncadd.s32 $0xFFFFE000  }
0x3a: {  	_ =	swait.ge [sflag:s13], $0x2000  }
0x3b: {  	[sflag:s13] =	ssyncset.done $0x0  }
0x3c: {  	[sflag:s13] =	ssyncadd.s32 $0xFFFFE000  }
0x3d: {  	_ =	sfence.sel $0x180000  }
0x3e: {  	[bflag:$0x0] =	sbarrier.arrive $0xFFFF  }
0x3f: {  	_ =	strace $0x90000047  }
0x40: {  	s0 =	stileid.u32;
	[bflag:$0x2] =	sbarrier.arrive $0xFFFF  }
0x41: {  	p0 =	sne.s32 s0, $0x0;
	s0 =	rddreg [dreg:$0x3]  }
0x42: {  	s0 =	sadd.s32 @!p0 $0x100000, s0  }
0x43: {  	[sflag:s0] =	ssyncadd.tile.s32 @!p0 $0x1;
	_ =	shalt  }
.Lfunc_end2:
_tile_overlayer_lowered:
.L_overlay_start_2:
0x44: {  	(tag) =	ssettag $0x2  }
0x45: {  	s0 =	rddreg [dreg:$0x0];
	s2 =	stileid.u32  }
0x46: {  	s1 =	rddreg [dreg:$0x1];
	p0 =	sne.s32 s2, $0x0  }
0x47: {  	s3 =	rddreg [dreg:$0x2];
	[bflag:$0x3] =	sbarrier.arrive $0xFFFF;
	s2 =	simm.s32 @!p0 $0x1C11  }
0x48: {  	[timem:s3], [sflag:s2] =	dma.local @!p0 [hbm:s0], s1  }
0x49: {  	s0 =	simm.s32 @!p0 $0x11  }
0x4a: {  	_ =	swait.ge @!p0 [sflag:s0], s1  }
0x4b: {  	s1 =	ssub.s32 @!p0 $0x0, s1;
	[sflag:s0] =	ssyncset.done @!p0 $0x0  }
0x4c: {  	[sflag:s0] =	ssyncadd.s32 @!p0 s1  }
0x4d: {  	[bflag:$0x3] =	sbarrier.arrive $0xFFFF  }
0x4e: {  	_ =	shalt  }

// kernel: sparse-core-data-format-call.cloned.1.call-start
scs
called_computation_lowered:
.L_overlay_start_0:
0x0: {  	s2 =	sld [smem:$0x3FD9]  }
0x1: {  	s3 =	sld [smem:$0x3FFE];
	_ =	sdelay $0x1  }
0x2: {  	s1 =	srdreg.scid  }
0x3: {  	s0 =	sand.u32 $0x1, s1  }
0x4: {  	s18 =	sshll.u32 s0, $0xA;
	s2 =	sadd.s32 s3, s2  }
0x5: {  	s2 =	sadd.s32 s2, s18  }
0x6: {  	[smem:$0x3FC6] =	sst s2  }
0x7: {  	_ = 	snop  }
0x8: {  	s2 =	sld [smem:$0x3FD0];
	(tm) =	ssettm $0x1  }
0x9: {  	s19 =	sld [smem:$0x3FFB];
	_ =	sdelay $0x3  }
0xa: {  	_ =	strace s19  }
0xb: {  	s3 =	sld [smem:$0x3FFC];
	_ =	sdelay $0x3  }
0xc: {  	_ =	strace s3  }
0xd: {  	s3 =	sld [smem:$0x3FFD];
	_ =	sdelay $0x3  }
0xe: {  	_ =	strace s3  }
0xf: {  	_ =	strace $0x8FFFFFFF  }
0x10: {  	s20 =	sld [smem:$0x3FDB];
	_ =	sdelay $0x1  }
0x11: {  	s4 =	simm.s32 $_scs_section_size  }
0x12: {  	s5 =	simm.s32 $_size__tile_overlayer_lowered;
	s6 =	simm.s32 $_tile_overlayer_lowered  }
0x13: {  	s23 =	simm.s32 $0x1BFF;
	s22 =	sshll.u32 s6, $0x1;
	s3 =	sadd.s32 s4, s20  }
0x14: {  	s7 =	simm.s32 $0x0;
	s21 =	sshll.u32 s5, $0x1;
	s5 =	sadd.s32 s22, s3  }
0x15: {  	[timem:s7], [sflag:s23] =	dma.local [hbm:s5], s21  }
0x16: {  	_ =	swait.ge [sflag:s23], s21  }
0x17: {  	s4 =	ssub.s32 $0x0, s21;
	[sflag:s23] =	ssyncset.done $0x0  }
0x18: {  	[sflag:s23] =	ssyncadd.s32 s4;
	_ =	sdelay $0x1  }
0x19: {  	s24 =	simm.s32 $0x1B8B  }
0x1a: {  	_ =	swait.ge [sflag:s24], $0x1  }
0x1b: {  	[sflag:s24] =	ssyncset.done $0x0  }
0x1c: {  	s26 =	simm.s32 $0x1B8E;
	s25 =	sld [smem:$0x3FFE];
	[sflag:s24] =	ssyncadd.s32 $0xFFFFFFFF  }
0x1d: {  	s27 =	simm.s32 $execute0_lowered;
	[smem:$0x3FD2] =	sst s26  }
0x1e: {  	s5 =	sshll.u32 s27, $0x1;
	_ =	strace $0x80000049;
	[dreg:$0x1] =	wrdreg $0xFFFFFFFF  }
0x1f: {  	s28 =	simm.s32 $_size_execute0_lowered;
	s3 =	sadd.s32 s3, s5;
	[dreg:$0x0] =	wrdreg $0x0  }
0x20: {  	s5 =	sshll.u32 s28, $0x1;
	[dreg:$0x2] =	wrdreg s3  }
0x21: {  	[dreg:$0x3] =	wrdreg s5  }
0x22: {  	[dreg:$0x4] =	wrdreg $0xC0  }
0x23: {  	_ =	task [dreg:s7], $0x5FFFF  }
0x24: {  	[dreg:$0x1] =	wrdreg $0xFFFFFFFF  }
0x25: {  	[dreg:$0x0] =	wrdreg $0x60  }
0x26: {  	[dreg:$0x2] =	wrdreg s25  }
0x27: {  	[dreg:$0x3] =	wrdreg s2  }
0x28: {  	[dreg:$0x4] =	wrdreg $0x9  }
0x29: {  	_ =	task.clear_ibuf [dreg:s7], $0x5FFFF;
	_ =	strace $0x90000049  }
0x2a: {  	s29 =	simm.s32 $0x9;
	_ =	strace $0x8000004B  }
0x2b: {  	_ =	swait.ge [sflag:s29], $0x1  }
0x2c: {  	[sflag:s29] =	ssyncadd.s32 $0xFFFFFFFF  }
0x2d: {  	_ =	strace $0x9000004B  }
0x2e: {  	_ =	sfence  }
0x2f: {  	s30 =	sld [smem:$0x0];
	_ =	sdelay $0x2  }
0x30: {  	s31 =	sshll.u32 s1, $0xD;
	s1 =	sshrl.u32 s1, $0x2  }
0x31: {  	s3 =	sand.u32 $0x4000, s31;
	s1 =	sadd.s32 s1, s30  }
0x32: {  	s0 =	sor.u32 s3, s0;
	s1 =	sshll.u32 s1, $0x11  }
0x33: {  	s0 =	sor.u32 s1, s0  }
0x34: {  	s0 =	sadd.s32 $0x8F2B, s0  }
0x35: {  	[sflag:s0] =	ssyncadd.remote.s32 $0x1  }
0x36: {  	_ =	sfence.sel $0xFFFF  }
0x37: {  	[dreg:$0x0] =	wrdreg $0xFFFFFFFF;
	(pc) =	sbr.abs _section_cstart, $3  }
0x38: {  	[dreg:$0x1] =	wrdreg $0xFFFFFFFF  }
0x39: {  	_ =	task.clear_ibuf [dreg:s7], $0x2FFFF;
	_ =	strace $0x9FFFFFFF  }
0x3a: {  	(tm) =	ssettm $0x7FFFFFFF  }
0x3b: {  	_ =	shalt  }
tec
execute0_lowered:
.L_overlay_start_1:
0x0: {  	(tag) =	ssettag $0x1  }
0x1: {  	s0 =	srdreg.scid  }
0x2: {  	s7 =	rddreg [dreg:$0x0];
	s1 =	sshll.u32 s0, $0x4  }
0x3: {  	s3 =	rddreg [dreg:$0x1];
	s0 =	stileid.u32;
	s1 =	sand.u32 $0x10, s1  }
0x4: {  	s6 =	simm.s32 $0x1;
	s31 =	simm.s32 $0x2;
	s1 =	sor.u32 s0, s1  }
0x5: {  	s13 =	simm.s32 $0x0;
	s9 =	simm.s32 $0x2000;
	s2 =	sshll.u32 s1, $0x1  }
0x6: {  	s14 =	simm.s32 $0x0;
	s10 =	simm.s32 $0x0;
	s4 =	ssub.s32 $0x100, s2  }
0x7: {  	s12 =	simm.s32 $0x0;
	s1 =	rddreg [dreg:$0x2];
	s5 =	sand.u32 $0x3E, s4  }
.Ltmp0:
0x8: {  	_ =	strace $0x8000004A;
	p0 =	sne.s32 s5, $0x0;
	(pc) =	sbr.rel .LBB1_1-.Ltmp0, $4  }
0x9: {  	s11 =	smov.u32 s2;
	s8 =	sshrl.u32 s4, $0x6;
	s6 =	simm.s32 @!p0 $0x0  }
0xa: {  	s4 =	sadd.s32 $0xA00, s7;
	s5 =	simm.s32 $0x1;
	s6 =	sadd.s32 s6, s8  }
0xb: {  	s7 =	sadd.s32 $0x4A00, s7;
	[sflag:s5] =	ssyncpa.u1 $0x0;
	s6 =	sshll.u32 s6, $0x3  }
0xc: {  	p0 =	por $0x0, $0x0;
	[sflag:s31] =	ssyncpa.u1 $0x0;
	s8 =	sor.u32 $0x1, s6  }
.LBB1_7:
0xd: {  	s15 =	sadd.s32 $0x80, s10  }
0xe: {  	s13 =	sadd.s32 $0x40, s11;
	s17 =	smov.u32 s11;
	p2 =	sgt.s32 s15, $0x3FF  }
0xf: {  	s17 =	smov.u32 @p2 s13  }
0x10: {  	s15 =	simm.s32 @p2 $0x0;
	p2 =	sgt.s32 s17, $0xFF  }
0x11: {  	s17 =	smov.u32 @p2 s2;
	p2 =	sne.s32 s12, s8  }
.Ltmp1:
0x12: {  	p1 =	slt.u32 s12, $0x2;
	(pc) =	sbr.rel @!p2 .LBB1_8-.Ltmp1, $4  }
0x13: {  	s16 =	simm.s32 @!p1 $0x2  }
0x14: {  	s14 =	smov.u32 s11;
	p0 =	por !p0, !p0;
	_ =	swait.ge @!p1 [sflag:s16], $0x4000  }
0x15: {  	s13 =	smov.u32 s10;
	[sflag:s16] =	ssyncset.done @!p1 $0x0;
	s10 =	smov.u32 s15  }
0x16: {  	s12 =	sadd.s32 $0x1, s12;
	[sflag:s16] =	ssyncadd.s32 @!p1 $0xFFFFC000;
	s11 =	smov.u32 s17  }
.LBB1_1:
0x17: {  	p1 =	sge.u32 s12, s6  }
0x18: {  	s15 =	sxor.u32 @!p1 $0xFFFFFFFF, s12;
	s16 =	sshll.u32 @!p1 s11, $0xE  }
0x19: {  	s17 =	sshll.u32 @!p1 s10, $0x4;
	s19 =	simm.s32 @!p1 $0x40;
	s20 =	simm.s32 @!p1 $0x80  }
0x1a: {  	s15 =	sshll.u32 @!p1 s15, $0xE;
	s17 =	sand.u32 @!p1 $0x3FF0, s17;
	s18 =	sadd.s32 @!p1 s4, s16  }
0x1b: {  	s16 =	sadd.s32 @!p1 s16, s7;
	s15 =	sand.u32 @!p1 $0x4000, s15;
	s18 =	sadd.s32 @!p1 s17, s18  }
0x1c: {  	[tilespmem:s15], [sflag:$0x1] =	stream.strided.gather @!p1 [hbm4b:s18+s19], $0x2000, s20, s19, $0x38;
	[tilespmem:$0x10100] =	vst v63  }
0x1d: {  	s31 =	sadd.s32 $0xFFFFFFFF, s12;
	s16 =	sadd.s32 @!p1 s17, s16;
	s15 =	sor.u32 @!p1 $0x2000, s15  }
0x1e: {  	[tilespmem:s15], [sflag:$0x1] =	stream.strided.gather @!p1 [hbm4b:s16+s19], $0x2000, s20, s19, $0x38;
	[tilespmem:$0x10100] =	vst v63  }
0x1f: {  	p1 =	sge.u32 s31, s6  }
.Ltmp2:
0x20: {  	_ = 	snop;
	(pc) =	sbr.rel @p1 .LBB1_7-.Ltmp2, $1  }
0x21: {  	_ =	sdelay $0x3  }
0x22: {  	s15 =	simm.s32 $0x1;
	s17 =	sand.u32 $0x1, s12  }
0x23: {  	_ =	swait.ge [sflag:s5], $0x4000;
	s15 =	simm.s32 @!p0 $0x0;
	s17 =	smul.u32 $0x10200, s17  }
0x24: {  	p2 =	por $0x1, $0x1;
	[sflag:s5] =	ssyncset.done $0x0;
	s16 =	smul.u32 $0x10200, s15  }
0x25: {  	s18 =	sshll.u32 s15, $0x10;
	[sflag:s5] =	ssyncadd.s32 $0xFFFFC000;
	s30 =	sshrl.u32 s17, $0x2  }
0x26: {  	s31 =	sshrl.u32 s18, $0x2;
	s18 =	simm.s32 $0x0;
	s16 =	sshrl.u32 s16, $0x2  }
0x27: {  	s15 =	sor.u32 $0x8000, s30;
	s17 =	sadd.s32 $0x20, s31;
	s16 =	sor.u32 $0x8000, s16  }
.LBB1_3:
0x28: {  	s19 =	sshll.u32 s18, $0xD  }
0x29: {  	s19 =	sand.u32 $0x3FFFE000, s19  }
0x2a: {  	s21 =	sadd.s32 s19, s17  }
0x2b: {  	s31 =	smul.u32 $0x8100, s18;
	v3 =	vld [tilespmem:s21+$0x10]  }
0x2c: {  	v1 =	vld [tilespmem:s21+$0xFFFFFFF0]  }
0x2d: {  	s18 =	sshra.s32 s31, $0x2;
	v0 =	vld [tilespmem:s21+$0x0]  }
0x2e: {  	s18 =	sadd.s32 s18, s16;
	v2 =	vld [tilespmem:s21+$0xFFFFFFE0]  }
0x2f: {  	s19 =	sadd.s32 $0x0, s18  }
0x30: {  	p1 =	por p2, p2;
	s20 =	simm.s32 $0x4;
	s21 =	sadd.s32 $0x40, s21;
	[tilespmem:s19+$0x1830 ss:$0x81] =	vst.msk $0xffff, v3  }
.LBB1_4:
0x31: {  	v3 =	vld [tilespmem:s21+$0x10];
	p2 =	sne.s32 s20, $0x1FC;
	[tilespmem:s19+$0x810 ss:$0x81] =	vst.msk $0xffff, v1;
	s22 =	smov.u32 s20;
	s20 =	sadd.s32 $0x4, s20  }
.Ltmp3:
0x32: {  	v1 =	vld [tilespmem:s21+$0xFFFFFFF0];
	[tilespmem:s19+$0x1020 ss:$0x81] =	vst.msk $0xffff, v0;
	(pc) =	sbr.rel @p2 .LBB1_4-.Ltmp3, $4  }
0x33: {  	v0 =	vld [tilespmem:s21+$0x0];
	[tilespmem:s19+$0x0 ss:$0x81] =	vst.msk $0xffff, v2  }
0x34: {  	s19 =	sshra.s32 s22, $0x2;
	v2 =	vld [tilespmem:s21+$0xFFFFFFE0]  }
0x35: {  	s19 =	sadd.s32 s19, s18  }
0x36: {  	s21 =	sadd.s32 $0x40, s21;
	[tilespmem:s19+$0x1830 ss:$0x81] =	vst.msk $0xffff, v3  }
.Ltmp4:
0x37: {  	(pc) =	sbr.rel @p1 .LBB1_3-.Ltmp4, $4  }
0x38: {  	_ = 	snop  }
0x39: {  	[tilespmem:s19+$0x810 ss:$0x81] =	vst.msk $0xffff, v1  }
0x3a: {  	[tilespmem:s19+$0x1020 ss:$0x81] =	vst.msk $0xffff, v0  }
0x3b: {  	s18 =	simm.s32 $0x1;
	p2 =	por $0x0, $0x0;
	[tilespmem:s19+$0x0 ss:$0x81] =	vst.msk $0xffff, v2  }
.Ltmp5:
0x3c: {  	s16 =	sand.u32 $0x1F80, s13;
	s14 =	sshll.u32 s14, $0xD;
	(pc) =	sbr.rel .LBB1_7-.Ltmp5, $4  }
0x3d: {  	s17 =	sshrl.u32 s13, $0x3;
	s31 =	sand.u32 $0x7, s13;
	s14 =	sadd.s32 s3, s14  }
0x3e: {  	s17 =	sand.u32 $0xF, s17;
	s13 =	sshll.u32 s31, $0x12;
	s14 =	sadd.s32 s16, s14  }
0x3f: {  	s13 =	sor.u32 $0x400, s13;
	s14 =	sadd.s32 s17, s14  }
0x40: {  	[hbm4b:s14+s13] =	stream.strided.scatter [tilespmem:s15], [sflag:$0x2], $0x4000, s9, s13, $0x20;
	[tilespmem:$0x10100] =	vst v63  }
.LBB1_8:
0x41: {  	_ =	sfence.sel $0x180000  }
0x42: {  	s2 =	simm.s32 $0x1;
	[bflag:$0x0] =	sbarrier.arrive $0xFFFF  }
0x43: {  	s31 =	simm.s32 $0x2;
	[sflag:s2] =	ssyncpa.u1 $0x1  }
0x44: {  	[sflag:s31] =	ssyncpa.u1 $0x1  }
0x45: {  	p0 =	sne.s32 s0, $0x0;
	_ =	strace $0x9000004A  }
0x46: {  	s0 =	sadd.s32 @!p0 $0x100000, s1;
	[bflag:$0x2] =	sbarrier.arrive $0xFFFF  }
0x47: {  	[sflag:s0] =	ssyncadd.tile.s32 @!p0 $0x1;
	_ =	shalt  }
.Lfunc_end1:
_tile_overlayer_lowered:
.L_overlay_start_2:
0x48: {  	(tag) =	ssettag $0x2  }
0x49: {  	s0 =	rddreg [dreg:$0x0];
	s2 =	stileid.u32  }
0x4a: {  	s1 =	rddreg [dreg:$0x1];
	p0 =	sne.s32 s2, $0x0  }
0x4b: {  	s3 =	rddreg [dreg:$0x2];
	[bflag:$0x3] =	sbarrier.arrive $0xFFFF;
	s2 =	simm.s32 @!p0 $0x1C01  }
0x4c: {  	[timem:s3], [sflag:s2] =	dma.local @!p0 [hbm:s0], s1  }
0x4d: {  	s0 =	simm.s32 @!p0 $0x1  }
0x4e: {  	_ =	swait.ge @!p0 [sflag:s0], s1  }
0x4f: {  	s1 =	ssub.s32 @!p0 $0x0, s1;
	[sflag:s0] =	ssyncset.done @!p0 $0x0  }
0x50: {  	[sflag:s0] =	ssyncadd.s32 @!p0 s1  }
0x51: {  	[bflag:$0x3] =	sbarrier.arrive $0xFFFF  }
0x52: {  	_ =	shalt  }

</sc_bundles>
